<compile_context>
chip_gen: v7x
topology: tpu7x:2x2x1
jax: 0.10.2.dev20260603
libtpu: 0.0.44.dev20260713+nightly
codegen_flags: <defaults>
</compile_context>

<pallas_src>
import functools

import jax
import jax.numpy as jnp
from jax import lax
from jax.experimental import pallas as pl
from jax.experimental.pallas import tpu as pltpu
from jax.experimental.pallas import tpu_sc as plsc

K = 8192
D = 256
N = 8192
BM = 256
BN = 1024
BETA = 0.25

_MM_PREC = lax.Precision.DEFAULT

_NW = 32
_BW = N // _NW


def _argmin_body(x_ref, e_ref, idx_ref, esq_ref):
    def esq_chunk(j, c):
        eb = e_ref[pl.ds(j * BN, BN), :]
        esq_ref[0:1, pl.ds(j * BN, BN)] = lax.dot_general(
            jnp.ones((1, D), jnp.float32), eb * eb,
            (((1,), (1,)), ((), ())),
            preferred_element_type=jnp.float32, precision=_MM_PREC)
        return c
    lax.fori_loop(0, K // BN, esq_chunk, 0)

    def row_block(rb, c):
        x = x_ref[pl.ds(rb * BM, BM), :]
        zsq = jnp.sum(x * x, axis=1, keepdims=True)

        def chunk(j, carry):
            rmin, ridx = carry
            eb = e_ref[pl.ds(j * BN, BN), :]
            mm = lax.dot_general(x, eb, (((1,), (1,)), ((), ())),
                                 preferred_element_type=jnp.float32,
                                 precision=_MM_PREC)
            dist = (zsq + esq_ref[0:1, pl.ds(j * BN, BN)]) - 2.0 * mm
            bmin = jnp.min(dist, axis=1, keepdims=True)
            io = lax.broadcasted_iota(jnp.int32, (BM, BN), 1) + j * BN
            bidx = jnp.min(jnp.where(dist == bmin, io, jnp.int32(2**30)),
                           axis=1, keepdims=True)
            upd = bmin < rmin
            return (jnp.where(upd, bmin, rmin), jnp.where(upd, bidx, ridx))

        init = (jnp.full((BM, 1), jnp.inf, jnp.float32),
                jnp.zeros((BM, 1), jnp.int32))
        _, ridx = lax.fori_loop(0, K // BN, chunk, init)
        idx_ref[pl.ds(rb * BM, BM), :] = ridx
        return c
    lax.fori_loop(0, N // BM, row_block, 0)


def _sc_body(e_hbm, idx_hbm, zq_hbm, hist_hbm, idx_v, rows_v, hist_v, sem):
    wid = lax.axis_index("s") * 2 + lax.axis_index("c")
    base = wid * _BW
    pltpu.sync_copy(idx_hbm.at[pl.ds(base, _BW)], idx_v)
    gather = pltpu.async_copy(e_hbm.at[idx_v], rows_v, sem)

    def zero_chunk(i, c):
        hist_v[pl.ds(i * 16, 16)] = jnp.zeros((16,), jnp.int32)
        return c
    lax.fori_loop(0, K // 16, zero_chunk, 0)

    lanes = lax.iota(jnp.int32, 16)
    one = jnp.ones((16,), jnp.int32)

    def hvec(i, c):
        iv = idx_v[pl.ds(i * 16, 16)]
        for l in range(16):
            plsc.addupdate_scatter(hist_v, [iv], one, mask=lanes == l)
        return c
    lax.fori_loop(0, _BW // 16, hvec, 0)

    gather.wait()
    pltpu.sync_copy(rows_v, zq_hbm.at[pl.ds(base, _BW)])
    pltpu.sync_copy(hist_v, hist_hbm.at[wid])


@functools.cache
def _sc_gather_hist():
    return pl.kernel(
        _sc_body,
        mesh=plsc.VectorSubcoreMesh(core_axis_name="c", subcore_axis_name="s"),
        out_type=[jax.ShapeDtypeStruct((N, D), jnp.float32),
                  jax.ShapeDtypeStruct((_NW, K), jnp.int32)],
        scratch_types=[pltpu.VMEM((_BW,), jnp.int32),
                       pltpu.VMEM((_BW, D), jnp.float32),
                       pltpu.VMEM((K,), jnp.int32),
                       pltpu.SemaphoreType.DMA],
        compiler_params=pltpu.CompilerParams(needs_layout_passes=False),
    )


def _finish_body(x_ref, zq_ref, hist_ref, zqst_ref, loss_ref, ppx_ref):
    x = x_ref[...]
    zq = zq_ref[...]
    d = zq - x
    zqst_ref[...] = x + d
    m = jnp.sum(d * d) / jnp.float32(N * D)
    loss_ref[...] = jnp.full((1, 1), m + BETA * m, jnp.float32)
    h = jnp.sum(hist_ref[...].astype(jnp.float32), axis=0, keepdims=True)
    p = h / jnp.float32(N)
    ent = jnp.sum(p * jnp.log(p + 1e-10))
    ppx_ref[...] = jnp.full((1, 1), jnp.exp(-ent), jnp.float32)


def kernel(z_e, embedding_weight):
    B, Dd, H, W = z_e.shape
    x = jnp.transpose(z_e, (0, 2, 3, 1)).reshape(-1, Dd)

    idx2 = pl.pallas_call(
        _argmin_body,
        out_shape=jax.ShapeDtypeStruct((N, 1), jnp.int32),
        scratch_shapes=[pltpu.VMEM((1, K), jnp.float32)],
    )(x, embedding_weight)
    indices = idx2.reshape(N)

    zq_flat, hist = _sc_gather_hist()(embedding_weight, indices)

    zqst, loss, ppx = pl.pallas_call(
        _finish_body,
        out_shape=(jax.ShapeDtypeStruct((N, D), jnp.float32),
                   jax.ShapeDtypeStruct((1, 1), jnp.float32),
                   jax.ShapeDtypeStruct((1, 1), jnp.float32)),
    )(x, zq_flat, hist)

    z_q_st = jnp.transpose(zqst.reshape(B, H, W, Dd), (0, 3, 1, 2))
    return z_q_st, loss.reshape(()), indices, ppx.reshape(())

# --- scband reference (transcript-rebuilt; emitter-appended) ---
"""Pipeline reference for scband-codebook-94489280683 (READ-ONLY COPY).

The authoritative reference and input builder live on the scoring server;
editing this copy changes nothing except your own understanding.
"""

import jax, jax.numpy as jnp
import numpy as np

NUM_EMBEDDINGS = 8192
EMBEDDING_DIM = 256
BETA = 0.25


def setup_inputs(seed: int = 0) -> dict:
    key = jax.random.key(seed)
    k1, k2 = jax.random.split(key)
    z_e = jax.random.normal(k1, (8, 256, 32, 32), dtype=jnp.float32)
    # nn.Embedding weight init: uniform(-1/K, 1/K)
    embedding_weight = jax.random.uniform(
        k2, (NUM_EMBEDDINGS, EMBEDDING_DIM), dtype=jnp.float32,
        minval=-1.0 / NUM_EMBEDDINGS, maxval=1.0 / NUM_EMBEDDINGS)
    return {"z_e": z_e, "embedding_weight": embedding_weight}


def reference(z_e, embedding_weight):
    B, D, H, W = z_e.shape
    z_e_flat = jnp.transpose(z_e, (0, 2, 3, 1)).reshape(-1, D)
    distances = (jnp.sum(z_e_flat ** 2, axis=1, keepdims=True)
                 + jnp.sum(embedding_weight ** 2, axis=1)
                 - 2.0 * jnp.matmul(z_e_flat, embedding_weight.T))
    indices = jnp.argmin(distances, axis=1)
    z_q_flat = jnp.take(embedding_weight, indices, axis=0)
    z_q = jnp.transpose(z_q_flat.reshape(B, H, W, D), (0, 3, 1, 2))
    commitment_loss = jnp.mean((jax.lax.stop_gradient(z_e) - z_q) ** 2)
    codebook_loss = jnp.mean((z_e - jax.lax.stop_gradient(z_q)) ** 2)
    vq_loss = codebook_loss + BETA * commitment_loss
    z_q_st = z_e + jax.lax.stop_gradient(z_q - z_e)
    # torch.histc(indices.float(), bins=K, min=0, max=K-1) == bincount over [0, K)
    avg_probs = jnp.bincount(indices, length=NUM_EMBEDDINGS).astype(jnp.float32)
    n = float(B * H * W)
    p = avg_probs / n
    perplexity = jnp.exp(-jnp.sum(p * jnp.log(p + 1e-10)))
    return (z_q_st, vq_loss, indices, perplexity)

if __name__ == "__main__":
    import jax
    _d = setup_inputs()
    print(jax.jit(kernel)(*tuple(_d.values())))

</pallas_src>

<mosaic_0001>
#map = affine_map<(d0, d1) -> (0, 0)>
#map1 = affine_map<(d0, d1) -> (0)>
module attributes {stable_mosaic.version = 14 : i64} {
  func.func @_sc_body(%arg0: i32, %arg1: i32, %arg2: memref<8192x256xf32, #tpu.memory_space<hbm>>, %arg3: memref<8192xi32, #tpu.memory_space<hbm>>, %arg4: memref<8192x256xf32, #tpu.memory_space<hbm>>, %arg5: memref<32x8192xi32, #tpu.memory_space<hbm>>, %arg6: memref<256xi32, #tpu.memory_space<vmem>>, %arg7: memref<256x256xf32, #tpu.memory_space<vmem>>, %arg8: memref<8192xi32, #tpu.memory_space<vmem>>, %arg9: memref<!tpu.dma_semaphore, #tpu.memory_space<semaphore_mem>>) attributes {dimension_semantics = [#tpu.dimension_semantics<core_parallel>, #tpu.dimension_semantics<subcore_parallel>], iteration_bounds = array<i64: 2, 16>, scalar_prefetch = 0 : i64, scratch_operands = 4 : i64, tpu.core_type = #tpu.core_type<sc_vector_subcore>, window_params = [{transform_indices = #map}, {transform_indices = #map1}, {transform_indices = #map}, {transform_indices = #map}]} {
    %mul3A = arith.constant 2 : i32
    %mul3A_0 = arith.muli %arg1, %mul3A : i32
    %add3A = arith.addi %mul3A_0, %arg0 : i32
    %mul3A_1 = arith.constant 256 : i32
    %mul3A_2 = arith.muli %add3A, %mul3A_1 : i32
    "tpu.region"() ({
      %run_scoped3A = tpu.sem_alloc : memref<!tpu.dma_semaphore, #tpu.memory_space<semaphore_mem>>
      %dma_start3A_19 = tpu.memref_slice %arg3[%mul3A_2] : memref<8192xi32, #tpu.memory_space<hbm>> -> memref<256xi32, #tpu.memory_space<hbm>>
      %dma_start3A_20 = tpu.memref_slice %arg3[%mul3A_2] : memref<8192xi32, #tpu.memory_space<hbm>> -> memref<256xi32, #tpu.memory_space<hbm>>
      tpu.enqueue_dma source(%dma_start3A_20 : memref<256xi32, #tpu.memory_space<hbm>>) target(%arg6 : memref<256xi32, #tpu.memory_space<vmem>>) target_semaphore(%run_scoped3A : memref<!tpu.dma_semaphore, #tpu.memory_space<semaphore_mem>>)
      %dma_wait3A_21 = tpu.memref_slice %arg3[%mul3A_2] : memref<8192xi32, #tpu.memory_space<hbm>> -> memref<256xi32, #tpu.memory_space<hbm>>
      %dma_wait3A_22 = tpu.memref_slice %arg3[%mul3A_2] : memref<8192xi32, #tpu.memory_space<hbm>> -> memref<256xi32, #tpu.memory_space<hbm>>
      tpu.wait_dma2 semaphore(%run_scoped3A : memref<!tpu.dma_semaphore, #tpu.memory_space<semaphore_mem>>) src(%dma_wait3A_22 : memref<256xi32, #tpu.memory_space<hbm>>) dst(%arg6 : memref<256xi32, #tpu.memory_space<vmem>>)
      tpu.yield
    }) : () -> ()
    %dma_start3A = arith.constant 0 : i32
    %dma_start3A_3 = arith.constant 0 : i32
    %dma_start3A_4 = tpu.memref_slice %arg2[%dma_start3A, %dma_start3A_3] : memref<8192x256xf32, #tpu.memory_space<hbm>> -> memref<8192x256xf32, #tpu.memory_space<hbm>>
    tpu.enqueue_indirect_dma source(%dma_start3A_4 : memref<8192x256xf32, #tpu.memory_space<hbm>>) target(%arg7 : memref<256x256xf32, #tpu.memory_space<vmem>>) offsets(%arg6 : memref<256xi32, #tpu.memory_space<vmem>>) semaphore(%arg9 : memref<!tpu.dma_semaphore, #tpu.memory_space<semaphore_mem>>)
    %scan3A = arith.constant 0 : i32
    %scan3A_5 = arith.constant 0 : i32
    %scan3A_6 = arith.constant 512 : i32
    %scan3A_7 = arith.addi %scan3A_5, %scan3A_6 : i32
    %scan3A_8 = arith.constant 1 : i32
    scf.for %scan3A_19 = %scan3A_5 to %scan3A_7 step %scan3A_8  : i32 {
      %broadcast_in_dim3A_20 = arith.constant 0 : i32
      %broadcast_in_dim3A_21 = vector.broadcast %broadcast_in_dim3A_20 : i32 to vector<16xi32>
      %mul3A_22 = arith.constant 16 : i32
      %mul3A_23 = arith.muli %scan3A_19, %mul3A_22 : i32
      %swap3A = arith.index_cast %mul3A_23 : i32 to index
      %swap3A_24 = tpu.vector_load %arg8[%swap3A] {strides = array<i32>} : memref<8192xi32, #tpu.memory_space<vmem>>, vector<16xi32>,
      tpu.vector_store %arg8[%swap3A], %broadcast_in_dim3A_21 {strides = array<i32>} : memref<8192xi32, #tpu.memory_space<vmem>>, vector<16xi32>,
    }
    %scan3A_9 = arith.constant 512 : i32
    %iota3A = tpu.iota {dimensions = array<i32: 0>} : vector<16xi32>
    %broadcast_in_dim3A = arith.constant 1 : i32
    %broadcast_in_dim3A_10 = vector.broadcast %broadcast_in_dim3A : i32 to vector<16xi32>
    %scan3A_11 = arith.constant 0 : i32
    %scan3A_12 = arith.constant 0 : i32
    %scan3A_13 = arith.constant 16 : i32
    %scan3A_14 = arith.addi %scan3A_12, %scan3A_13 : i32
    %scan3A_15 = arith.constant 1 : i32
    scf.for %scan3A_19 = %scan3A_12 to %scan3A_14 step %scan3A_15  : i32 {
      %mul3A_20 = arith.constant 16 : i32
      %mul3A_21 = arith.muli %scan3A_19, %mul3A_20 : i32
      %get3A = arith.index_cast %mul3A_21 : i32 to index
      %get3A_22 = tpu.vector_load %arg6[%get3A] {strides = array<i32>} : memref<256xi32, #tpu.memory_space<vmem>>, vector<16xi32>,
      %eq3A = arith.constant 0 : i32
      %eq3A_23 = vector.broadcast %eq3A : i32 to vector<16xi32>
      %eq3A_24 = arith.cmpi eq, %iota3A, %eq3A_23 : vector<16xi32>
      tpu.vector_store_idx %arg8[%get3A_22], %broadcast_in_dim3A_10 masked %eq3A_24 {add = true} : memref<8192xi32, #tpu.memory_space<vmem>>[vector<16xi32>], vector<16xi32>, vector<16xi1>
      %eq3A_25 = arith.constant 1 : i32
      %eq3A_26 = vector.broadcast %eq3A_25 : i32 to vector<16xi32>
      %eq3A_27 = arith.cmpi eq, %iota3A, %eq3A_26 : vector<16xi32>
      tpu.vector_store_idx %arg8[%get3A_22], %broadcast_in_dim3A_10 masked %eq3A_27 {add = true} : memref<8192xi32, #tpu.memory_space<vmem>>[vector<16xi32>], vector<16xi32>, vector<16xi1>
      %eq3A_28 = arith.constant 2 : i32
      %eq3A_29 = vector.broadcast %eq3A_28 : i32 to vector<16xi32>
      %eq3A_30 = arith.cmpi eq, %iota3A, %eq3A_29 : vector<16xi32>
      tpu.vector_store_idx %arg8[%get3A_22], %broadcast_in_dim3A_10 masked %eq3A_30 {add = true} : memref<8192xi32, #tpu.memory_space<vmem>>[vector<16xi32>], vector<16xi32>, vector<16xi1>
      %eq3A_31 = arith.constant 3 : i32
      %eq3A_32 = vector.broadcast %eq3A_31 : i32 to vector<16xi32>
      %eq3A_33 = arith.cmpi eq, %iota3A, %eq3A_32 : vector<16xi32>
      tpu.vector_store_idx %arg8[%get3A_22], %broadcast_in_dim3A_10 masked %eq3A_33 {add = true} : memref<8192xi32, #tpu.memory_space<vmem>>[vector<16xi32>], vector<16xi32>, vector<16xi1>
      %eq3A_34 = arith.constant 4 : i32
      %eq3A_35 = vector.broadcast %eq3A_34 : i32 to vector<16xi32>
      %eq3A_36 = arith.cmpi eq, %iota3A, %eq3A_35 : vector<16xi32>
      tpu.vector_store_idx %arg8[%get3A_22], %broadcast_in_dim3A_10 masked %eq3A_36 {add = true} : memref<8192xi32, #tpu.memory_space<vmem>>[vector<16xi32>], vector<16xi32>, vector<16xi1>
      %eq3A_37 = arith.constant 5 : i32
      %eq3A_38 = vector.broadcast %eq3A_37 : i32 to vector<16xi32>
      %eq3A_39 = arith.cmpi eq, %iota3A, %eq3A_38 : vector<16xi32>
      tpu.vector_store_idx %arg8[%get3A_22], %broadcast_in_dim3A_10 masked %eq3A_39 {add = true} : memref<8192xi32, #tpu.memory_space<vmem>>[vector<16xi32>], vector<16xi32>, vector<16xi1>
      %eq3A_40 = arith.constant 6 : i32
      %eq3A_41 = vector.broadcast %eq3A_40 : i32 to vector<16xi32>
      %eq3A_42 = arith.cmpi eq, %iota3A, %eq3A_41 : vector<16xi32>
      tpu.vector_store_idx %arg8[%get3A_22], %broadcast_in_dim3A_10 masked %eq3A_42 {add = true} : memref<8192xi32, #tpu.memory_space<vmem>>[vector<16xi32>], vector<16xi32>, vector<16xi1>
      %eq3A_43 = arith.constant 7 : i32
      %eq3A_44 = vector.broadcast %eq3A_43 : i32 to vector<16xi32>
      %eq3A_45 = arith.cmpi eq, %iota3A, %eq3A_44 : vector<16xi32>
      tpu.vector_store_idx %arg8[%get3A_22], %broadcast_in_dim3A_10 masked %eq3A_45 {add = true} : memref<8192xi32, #tpu.memory_space<vmem>>[vector<16xi32>], vector<16xi32>, vector<16xi1>
      %eq3A_46 = arith.constant 8 : i32
      %eq3A_47 = vector.broadcast %eq3A_46 : i32 to vector<16xi32>
      %eq3A_48 = arith.cmpi eq, %iota3A, %eq3A_47 : vector<16xi32>
      tpu.vector_store_idx %arg8[%get3A_22], %broadcast_in_dim3A_10 masked %eq3A_48 {add = true} : memref<8192xi32, #tpu.memory_space<vmem>>[vector<16xi32>], vector<16xi32>, vector<16xi1>
      %eq3A_49 = arith.constant 9 : i32
      %eq3A_50 = vector.broadcast %eq3A_49 : i32 to vector<16xi32>
      %eq3A_51 = arith.cmpi eq, %iota3A, %eq3A_50 : vector<16xi32>
      tpu.vector_store_idx %arg8[%get3A_22], %broadcast_in_dim3A_10 masked %eq3A_51 {add = true} : memref<8192xi32, #tpu.memory_space<vmem>>[vector<16xi32>], vector<16xi32>, vector<16xi1>
      %eq3A_52 = arith.constant 10 : i32
      %eq3A_53 = vector.broadcast %eq3A_52 : i32 to vector<16xi32>
      %eq3A_54 = arith.cmpi eq, %iota3A, %eq3A_53 : vector<16xi32>
      tpu.vector_store_idx %arg8[%get3A_22], %broadcast_in_dim3A_10 masked %eq3A_54 {add = true} : memref<8192xi32, #tpu.memory_space<vmem>>[vector<16xi32>], vector<16xi32>, vector<16xi1>
      %eq3A_55 = arith.constant 11 : i32
      %eq3A_56 = vector.broadcast %eq3A_55 : i32 to vector<16xi32>
      %eq3A_57 = arith.cmpi eq, %iota3A, %eq3A_56 : vector<16xi32>
      tpu.vector_store_idx %arg8[%get3A_22], %broadcast_in_dim3A_10 masked %eq3A_57 {add = true} : memref<8192xi32, #tpu.memory_space<vmem>>[vector<16xi32>], vector<16xi32>, vector<16xi1>
      %eq3A_58 = arith.constant 12 : i32
      %eq3A_59 = vector.broadcast %eq3A_58 : i32 to vector<16xi32>
      %eq3A_60 = arith.cmpi eq, %iota3A, %eq3A_59 : vector<16xi32>
      tpu.vector_store_idx %arg8[%get3A_22], %broadcast_in_dim3A_10 masked %eq3A_60 {add = true} : memref<8192xi32, #tpu.memory_space<vmem>>[vector<16xi32>], vector<16xi32>, vector<16xi1>
      %eq3A_61 = arith.constant 13 : i32
      %eq3A_62 = vector.broadcast %eq3A_61 : i32 to vector<16xi32>
      %eq3A_63 = arith.cmpi eq, %iota3A, %eq3A_62 : vector<16xi32>
      tpu.vector_store_idx %arg8[%get3A_22], %broadcast_in_dim3A_10 masked %eq3A_63 {add = true} : memref<8192xi32, #tpu.memory_space<vmem>>[vector<16xi32>], vector<16xi32>, vector<16xi1>
      %eq3A_64 = arith.constant 14 : i32
      %eq3A_65 = vector.broadcast %eq3A_64 : i32 to vector<16xi32>
      %eq3A_66 = arith.cmpi eq, %iota3A, %eq3A_65 : vector<16xi32>
      tpu.vector_store_idx %arg8[%get3A_22], %broadcast_in_dim3A_10 masked %eq3A_66 {add = true} : memref<8192xi32, #tpu.memory_space<vmem>>[vector<16xi32>], vector<16xi32>, vector<16xi1>
      %eq3A_67 = arith.constant 15 : i32
      %eq3A_68 = vector.broadcast %eq3A_67 : i32 to vector<16xi32>
      %eq3A_69 = arith.cmpi eq, %iota3A, %eq3A_68 : vector<16xi32>
      tpu.vector_store_idx %arg8[%get3A_22], %broadcast_in_dim3A_10 masked %eq3A_69 {add = true} : memref<8192xi32, #tpu.memory_space<vmem>>[vector<16xi32>], vector<16xi32>, vector<16xi1>
    }
    %scan3A_16 = arith.constant 16 : i32
    %dma_wait3A = arith.constant 0 : i32
    %dma_wait3A_17 = arith.constant 0 : i32
    %dma_wait3A_18 = tpu.memref_slice %arg2[%dma_wait3A, %dma_wait3A_17] : memref<8192x256xf32, #tpu.memory_space<hbm>> -> memref<8192x256xf32, #tpu.memory_space<hbm>>
    tpu.wait_indirect_dma semaphore(%arg9 : memref<!tpu.dma_semaphore, #tpu.memory_space<semaphore_mem>>) src(%dma_wait3A_18 : memref<8192x256xf32, #tpu.memory_space<hbm>>) dst(%arg7 : memref<256x256xf32, #tpu.memory_space<vmem>>)
    "tpu.region"() ({
      %run_scoped3A = tpu.sem_alloc : memref<!tpu.dma_semaphore, #tpu.memory_space<semaphore_mem>>
      %dma_start3A_19 = arith.constant 0 : i32
      %dma_start3A_20 = tpu.memref_slice %arg4[%mul3A_2, %dma_start3A_19] : memref<8192x256xf32, #tpu.memory_space<hbm>> -> memref<256x256xf32, #tpu.memory_space<hbm>>
      %dma_start3A_21 = arith.constant 0 : i32
      %dma_start3A_22 = tpu.memref_slice %arg4[%mul3A_2, %dma_start3A_21] : memref<8192x256xf32, #tpu.memory_space<hbm>> -> memref<256x256xf32, #tpu.memory_space<hbm>>
      tpu.enqueue_dma source(%arg7 : memref<256x256xf32, #tpu.memory_space<vmem>>) target(%dma_start3A_22 : memref<256x256xf32, #tpu.memory_space<hbm>>) target_semaphore(%run_scoped3A : memref<!tpu.dma_semaphore, #tpu.memory_space<semaphore_mem>>)
      %dma_wait3A_23 = arith.constant 0 : i32
      %dma_wait3A_24 = tpu.memref_slice %arg4[%mul3A_2, %dma_wait3A_23] : memref<8192x256xf32, #tpu.memory_space<hbm>> -> memref<256x256xf32, #tpu.memory_space<hbm>>
      %dma_wait3A_25 = arith.constant 0 : i32
      %dma_wait3A_26 = tpu.memref_slice %arg4[%mul3A_2, %dma_wait3A_25] : memref<8192x256xf32, #tpu.memory_space<hbm>> -> memref<256x256xf32, #tpu.memory_space<hbm>>
      tpu.wait_dma2 semaphore(%run_scoped3A : memref<!tpu.dma_semaphore, #tpu.memory_space<semaphore_mem>>) src(%arg7 : memref<256x256xf32, #tpu.memory_space<vmem>>) dst(%dma_wait3A_26 : memref<256x256xf32, #tpu.memory_space<hbm>>)
      tpu.yield
    }) : () -> ()
    "tpu.region"() ({
      %run_scoped3A = tpu.sem_alloc : memref<!tpu.dma_semaphore, #tpu.memory_space<semaphore_mem>>
      %dma_start3A_19 = arith.constant 0 : i32
      %dma_start3A_20 = tpu.memref_slice %arg5[%add3A, %dma_start3A_19] : memref<32x8192xi32, #tpu.memory_space<hbm>> -> memref<1x8192xi32, #tpu.memory_space<hbm>>
      %dma_start3A_21 = tpu.memref_squeeze %dma_start3A_20 : memref<1x8192xi32, #tpu.memory_space<hbm>> -> memref<8192xi32, #tpu.memory_space<hbm>>
      %dma_start3A_22 = arith.constant 0 : i32
      %dma_start3A_23 = tpu.memref_slice %arg5[%add3A, %dma_start3A_22] : memref<32x8192xi32, #tpu.memory_space<hbm>> -> memref<1x8192xi32, #tpu.memory_space<hbm>>
      %dma_start3A_24 = tpu.memref_squeeze %dma_start3A_23 : memref<1x8192xi32, #tpu.memory_space<hbm>> -> memref<8192xi32, #tpu.memory_space<hbm>>
      tpu.enqueue_dma source(%arg8 : memref<8192xi32, #tpu.memory_space<vmem>>) target(%dma_start3A_24 : memref<8192xi32, #tpu.memory_space<hbm>>) target_semaphore(%run_scoped3A : memref<!tpu.dma_semaphore, #tpu.memory_space<semaphore_mem>>)
      %dma_wait3A_25 = arith.constant 0 : i32
      %dma_wait3A_26 = tpu.memref_slice %arg5[%add3A, %dma_wait3A_25] : memref<32x8192xi32, #tpu.memory_space<hbm>> -> memref<1x8192xi32, #tpu.memory_space<hbm>>
      %dma_wait3A_27 = tpu.memref_squeeze %dma_wait3A_26 : memref<1x8192xi32, #tpu.memory_space<hbm>> -> memref<8192xi32, #tpu.memory_space<hbm>>
      %dma_wait3A_28 = arith.constant 0 : i32
      %dma_wait3A_29 = tpu.memref_slice %arg5[%add3A, %dma_wait3A_28] : memref<32x8192xi32, #tpu.memory_space<hbm>> -> memref<1x8192xi32, #tpu.memory_space<hbm>>
      %dma_wait3A_30 = tpu.memref_squeeze %dma_wait3A_29 : memref<1x8192xi32, #tpu.memory_space<hbm>> -> memref<8192xi32, #tpu.memory_space<hbm>>
      tpu.wait_dma2 semaphore(%run_scoped3A : memref<!tpu.dma_semaphore, #tpu.memory_space<semaphore_mem>>) src(%arg8 : memref<8192xi32, #tpu.memory_space<vmem>>) dst(%dma_wait3A_30 : memref<8192xi32, #tpu.memory_space<hbm>>)
      tpu.yield
    }) : () -> ()
    return
  }
}

module attributes {stable_mosaic.version = 14 : i64} {
  func.func @_finish_body(%arg0: memref<8192x256xf32, #tpu.memory_space<vmem>>, %arg1: memref<8192x256xf32, #tpu.memory_space<vmem>>, %arg2: memref<32x8192xi32, #tpu.memory_space<vmem>>, %arg3: memref<8192x256xf32, #tpu.memory_space<vmem>>, %arg4: memref<1x1xf32, #tpu.memory_space<vmem>>, %arg5: memref<1x1xf32, #tpu.memory_space<vmem>>) attributes {dimension_semantics = [], scalar_prefetch = 0 : i64, scratch_operands = 0 : i64, tpu.core_type = #tpu.core_type<tc>} {
    %get3A = arith.constant 0 : index
    %get3A_0 = arith.constant 0 : index
    %get3A_1 = vector.load %arg0[%get3A, %get3A_0] : memref<8192x256xf32, #tpu.memory_space<vmem>>, vector<8192x256xf32>
    %get3A_2 = arith.constant 0 : index
    %get3A_3 = arith.constant 0 : index
    %get3A_4 = vector.load %arg1[%get3A_2, %get3A_3] : memref<8192x256xf32, #tpu.memory_space<vmem>>, vector<8192x256xf32>
    %sub3A = arith.subf %get3A_4, %get3A_1 : vector<8192x256xf32>
    %add3A = arith.addf %get3A_1, %sub3A : vector<8192x256xf32>
    %swap3A = arith.constant 0 : index
    %swap3A_5 = arith.constant 0 : index
    %swap3A_6 = vector.load %arg3[%swap3A, %swap3A_5] : memref<8192x256xf32, #tpu.memory_space<vmem>>, vector<8192x256xf32>
    tpu.vector_store %arg3[%swap3A, %swap3A_5], %add3A {strides = array<i32>} : memref<8192x256xf32, #tpu.memory_space<vmem>>, vector<8192x256xf32>,
    %mul3A = arith.mulf %sub3A, %sub3A : vector<8192x256xf32>
    %reduce_sum3A = vector.shape_cast %mul3A : vector<8192x256xf32> to vector<1x8192x256xf32>
    %reduce_sum3A_7 = arith.constant dense<0.000000e+00> : vector<1xf32>
    %reduce_sum3A_8 = vector.multi_reduction <add>, %reduce_sum3A, %reduce_sum3A_7 [1, 2] : vector<1x8192x256xf32> to vector<1xf32>
    %reduce_sum3A_9 = vector.shape_cast %reduce_sum3A_8 : vector<1xf32> to vector<1x1x1xf32>
    %reduce_sum3A_10 = vector.extract %reduce_sum3A_9[0, 0, 0] : f32 from vector<1x1x1xf32>
    %div3A = arith.constant 0x4A000000 : f32
    %div3A_11 = arith.divf %reduce_sum3A_10, %div3A : f32
    %mul3A_12 = arith.constant 2.500000e-01 : f32
    %mul3A_13 = arith.mulf %mul3A_12, %div3A_11 : f32
    %add3A_14 = arith.addf %div3A_11, %mul3A_13 : f32
    %broadcast_in_dim3A = vector.broadcast %add3A_14 : f32 to vector<1x1xf32>
    %swap3A_15 = arith.constant 0 : index
    %swap3A_16 = arith.constant 0 : index
    %swap3A_17 = vector.load %arg4[%swap3A_15, %swap3A_16] : memref<1x1xf32, #tpu.memory_space<vmem>>, vector<1x1xf32>
    tpu.vector_store %arg4[%swap3A_15, %swap3A_16], %broadcast_in_dim3A {strides = array<i32>} : memref<1x1xf32, #tpu.memory_space<vmem>>, vector<1x1xf32>,
    %get3A_18 = arith.constant 0 : index
    %get3A_19 = arith.constant 0 : index
    %get3A_20 = vector.load %arg2[%get3A_18, %get3A_19] : memref<32x8192xi32, #tpu.memory_space<vmem>>, vector<32x8192xi32>
    %convert_element_type3A = arith.sitofp %get3A_20 : vector<32x8192xi32> to vector<32x8192xf32>
    %reduce_sum3A_21 = arith.constant dense<0.000000e+00> : vector<8192xf32>
    %reduce_sum3A_22 = vector.multi_reduction <add>, %convert_element_type3A, %reduce_sum3A_21 [0] : vector<32x8192xf32> to vector<8192xf32>
    %broadcast_in_dim3A_23 = vector.shape_cast %reduce_sum3A_22 : vector<8192xf32> to vector<1x8192xf32>
    %div3A_24 = arith.constant 8.192000e+03 : f32
    %div3A_25 = vector.broadcast %div3A_24 : f32 to vector<1x8192xf32>
    %div3A_26 = arith.divf %broadcast_in_dim3A_23, %div3A_25 : vector<1x8192xf32>
    %add3A_27 = arith.constant 1.000000e-10 : f32
    %add3A_28 = vector.broadcast %add3A_27 : f32 to vector<1x8192xf32>
    %add3A_29 = arith.addf %div3A_26, %add3A_28 : vector<1x8192xf32>
    %log3A = math.log %add3A_29 : vector<1x8192xf32>
    %mul3A_30 = arith.mulf %div3A_26, %log3A : vector<1x8192xf32>
    %reduce_sum3A_31 = vector.shape_cast %mul3A_30 : vector<1x8192xf32> to vector<1x1x8192xf32>
    %reduce_sum3A_32 = arith.constant dense<0.000000e+00> : vector<1xf32>
    %reduce_sum3A_33 = vector.multi_reduction <add>, %reduce_sum3A_31, %reduce_sum3A_32 [1, 2] : vector<1x1x8192xf32> to vector<1xf32>
    %reduce_sum3A_34 = vector.shape_cast %reduce_sum3A_33 : vector<1xf32> to vector<1x1x1xf32>
    %reduce_sum3A_35 = vector.extract %reduce_sum3A_34[0, 0, 0] : f32 from vector<1x1x1xf32>
    %neg3A = arith.constant 0.000000e+00 : f32
    %neg3A_36 = arith.subf %neg3A, %reduce_sum3A_35 : f32
    %exp3A = math.exp %neg3A_36 : f32
    %broadcast_in_dim3A_37 = vector.broadcast %exp3A : f32 to vector<1x1xf32>
    %swap3A_38 = arith.constant 0 : index
    %swap3A_39 = arith.constant 0 : index
    %swap3A_40 = vector.load %arg5[%swap3A_38, %swap3A_39] : memref<1x1xf32, #tpu.memory_space<vmem>>, vector<1x1xf32>
    tpu.vector_store %arg5[%swap3A_38, %swap3A_39], %broadcast_in_dim3A_37 {strides = array<i32>} : memref<1x1xf32, #tpu.memory_space<vmem>>, vector<1x1xf32>,
    return
  }
}

module attributes {stable_mosaic.version = 14 : i64} {
  func.func @_argmin_body(%arg0: memref<8192x256xf32, #tpu.memory_space<vmem>>, %arg1: memref<8192x256xf32, #tpu.memory_space<vmem>>, %arg2: memref<8192x1xi32, #tpu.memory_space<vmem>>, %arg3: memref<1x8192xf32, #tpu.memory_space<vmem>>) attributes {dimension_semantics = [], scalar_prefetch = 0 : i64, scratch_operands = 1 : i64, tpu.core_type = #tpu.core_type<tc>} {
    %scan3A = arith.constant 0 : i32
    %scan3A_0 = arith.constant 8 : i32
    %scan3A_1 = arith.addi %scan3A, %scan3A_0 : i32
    %scan3A_2 = arith.constant 1 : i32
    scf.for %scan3A_9 = %scan3A to %scan3A_1 step %scan3A_2  : i32 {
      %mul3A = arith.constant 1024 : i32
      %mul3A_10 = arith.muli %scan3A_9, %mul3A : i32
      %get3A = arith.index_cast %mul3A_10 : i32 to index
      %get3A_11 = arith.constant 0 : index
      %get3A_12 = vector.load %arg1[%get3A, %get3A_11] : memref<8192x256xf32, #tpu.memory_space<vmem>>, vector<1024x256xf32>
      %broadcast_in_dim3A = arith.constant 1.000000e+00 : f32
      %broadcast_in_dim3A_13 = vector.broadcast %broadcast_in_dim3A : f32 to vector<1x256xf32>
      %mul3A_14 = arith.mulf %get3A_12, %get3A_12 : vector<1024x256xf32>
      %dot_general3A = arith.constant dense<0.000000e+00> : vector<1x1024xf32>
      %dot_general3A_15 = tpu.matmul %broadcast_in_dim3A_13, %mul3A_14, %dot_general3A {dimension_numbers = #tpu.dot_dimension_numbers<[1], [1], [0], [0], [0, 0, 1, 0], [], []>, transpose_lhs_hint = false} : vector<1x256xf32>, vector<1024x256xf32>, vector<1x1024xf32> -> vector<1x1024xf32>
      %mul3A_16 = arith.constant 1024 : i32
      %mul3A_17 = arith.muli %scan3A_9, %mul3A_16 : i32
      %swap3A = arith.constant 0 : index
      %swap3A_18 = arith.index_cast %mul3A_17 : i32 to index
      %swap3A_19 = vector.load %arg3[%swap3A, %swap3A_18] : memref<1x8192xf32, #tpu.memory_space<vmem>>, vector<1x1024xf32>
      tpu.vector_store %arg3[%swap3A, %swap3A_18], %dot_general3A_15 {strides = array<i32>} : memref<1x8192xf32, #tpu.memory_space<vmem>>, vector<1x1024xf32>,
    }
    %scan3A_3 = arith.constant 8 : i32
    %scan3A_4 = arith.constant 0 : i32
    %scan3A_5 = arith.constant 32 : i32
    %scan3A_6 = arith.addi %scan3A_4, %scan3A_5 : i32
    %scan3A_7 = arith.constant 1 : i32
    scf.for %scan3A_9 = %scan3A_4 to %scan3A_6 step %scan3A_7  : i32 {
      %mul3A = arith.constant 256 : i32
      %mul3A_10 = arith.muli %scan3A_9, %mul3A : i32
      %get3A = arith.index_cast %mul3A_10 : i32 to index
      %get3A_11 = arith.constant 0 : index
      %get3A_12 = vector.load %arg0[%get3A, %get3A_11] : memref<8192x256xf32, #tpu.memory_space<vmem>>, vector<256x256xf32>
      %mul3A_13 = arith.mulf %get3A_12, %get3A_12 : vector<256x256xf32>
      %reduce_sum3A = arith.constant dense<0.000000e+00> : vector<256xf32>
      %reduce_sum3A_14 = vector.multi_reduction <add>, %mul3A_13, %reduce_sum3A [1] : vector<256x256xf32> to vector<256xf32>
      %broadcast_in_dim3A = vector.shape_cast %reduce_sum3A_14 : vector<256xf32> to vector<256x1xf32>
      %broadcast_in_dim3A_15 = arith.constant 0x7F800000 : f32
      %broadcast_in_dim3A_16 = vector.broadcast %broadcast_in_dim3A_15 : f32 to vector<256x1xf32>
      %broadcast_in_dim3A_17 = arith.constant 0 : i32
      %broadcast_in_dim3A_18 = vector.broadcast %broadcast_in_dim3A_17 : i32 to vector<256x1xi32>
      %scan3A_19 = arith.constant 0 : i32
      %scan3A_20 = arith.constant 8 : i32
      %scan3A_21 = arith.addi %scan3A_19, %scan3A_20 : i32
      %scan3A_22 = arith.constant 1 : i32
      %scan3A_23:2 = scf.for %scan3A_29 = %scan3A_19 to %scan3A_21 step %scan3A_22 iter_args(%scan3A_30 = %broadcast_in_dim3A_16, %scan3A_31 = %broadcast_in_dim3A_18) -> (vector<256x1xf32>, vector<256x1xi32>)  : i32 {
        %mul3A_32 = arith.constant 1024 : i32
        %mul3A_33 = arith.muli %scan3A_29, %mul3A_32 : i32
        %get3A_34 = arith.index_cast %mul3A_33 : i32 to index
        %get3A_35 = arith.constant 0 : index
        %get3A_36 = vector.load %arg1[%get3A_34, %get3A_35] : memref<8192x256xf32, #tpu.memory_space<vmem>>, vector<1024x256xf32>
        %dot_general3A = arith.constant dense<0.000000e+00> : vector<256x1024xf32>
        %dot_general3A_37 = tpu.matmul %get3A_12, %get3A_36, %dot_general3A {dimension_numbers = #tpu.dot_dimension_numbers<[1], [1], [0], [0], [0, 0, 1, 0], [], []>, transpose_lhs_hint = false} : vector<256x256xf32>, vector<1024x256xf32>, vector<256x1024xf32> -> vector<256x1024xf32>
        %mul3A_38 = arith.constant 1024 : i32
        %mul3A_39 = arith.muli %scan3A_29, %mul3A_38 : i32
        %get3A_40 = arith.constant 0 : index
        %get3A_41 = arith.index_cast %mul3A_39 : i32 to index
        %get3A_42 = vector.load %arg3[%get3A_40, %get3A_41] : memref<1x8192xf32, #tpu.memory_space<vmem>>, vector<1x1024xf32>
        %add3A = vector.broadcast %broadcast_in_dim3A : vector<256x1xf32> to vector<256x1024xf32>
        %add3A_43 = vector.broadcast %get3A_42 : vector<1x1024xf32> to vector<256x1024xf32>
        %add3A_44 = arith.addf %add3A, %add3A_43 : vector<256x1024xf32>
        %mul3A_45 = arith.constant 2.000000e+00 : f32
        %mul3A_46 = vector.broadcast %mul3A_45 : f32 to vector<256x1024xf32>
        %mul3A_47 = arith.mulf %mul3A_46, %dot_general3A_37 : vector<256x1024xf32>
        %sub3A = arith.subf %add3A_44, %mul3A_47 : vector<256x1024xf32>
        %reduce_min3A = arith.constant dense<0x7F800000> : vector<256xf32>
        %reduce_min3A_48 = vector.multi_reduction <minimumf>, %sub3A, %reduce_min3A [1] : vector<256x1024xf32> to vector<256xf32>
        %broadcast_in_dim3A_49 = vector.shape_cast %reduce_min3A_48 : vector<256xf32> to vector<256x1xf32>
        %iota3A = tpu.iota {dimensions = array<i32: 1>} : vector<256x1024xi32>
        %mul3A_50 = arith.constant 1024 : i32
        %mul3A_51 = arith.muli %scan3A_29, %mul3A_50 : i32
        %add3A_52 = vector.broadcast %mul3A_51 : i32 to vector<256x1024xi32>
        %add3A_53 = arith.addi %iota3A, %add3A_52 : vector<256x1024xi32>
        %eq3A = vector.broadcast %broadcast_in_dim3A_49 : vector<256x1xf32> to vector<256x1024xf32>
        %eq3A_54 = arith.cmpf oeq, %sub3A, %eq3A : vector<256x1024xf32>
        %jit3A = arith.constant 1073741824 : i32
        %broadcast_in_dim3A_55 = vector.broadcast %jit3A : i32 to vector<256x1024xi32>
        %select_n3A = arith.select %eq3A_54, %add3A_53, %broadcast_in_dim3A_55 : vector<256x1024xi1>, vector<256x1024xi32>
        %reduce_min3A_56 = arith.constant dense<2147483647> : vector<256xi32>
        %reduce_min3A_57 = vector.multi_reduction <minsi>, %select_n3A, %reduce_min3A_56 [1] : vector<256x1024xi32> to vector<256xi32>
        %broadcast_in_dim3A_58 = vector.shape_cast %reduce_min3A_57 : vector<256xi32> to vector<256x1xi32>
        %lt3A = arith.cmpf olt, %broadcast_in_dim3A_49, %scan3A_30 : vector<256x1xf32>
        %select_n3A_59 = arith.select %lt3A, %broadcast_in_dim3A_49, %scan3A_30 : vector<256x1xi1>, vector<256x1xf32>
        %select_n3A_60 = arith.select %lt3A, %broadcast_in_dim3A_58, %scan3A_31 : vector<256x1xi1>, vector<256x1xi32>
        scf.yield %select_n3A_59, %select_n3A_60 : vector<256x1xf32>, vector<256x1xi32>
      }
      %scan3A_24 = arith.constant 8 : i32
      %mul3A_25 = arith.constant 256 : i32
      %mul3A_26 = arith.muli %scan3A_9, %mul3A_25 : i32
      %swap3A = arith.index_cast %mul3A_26 : i32 to index
      %swap3A_27 = arith.constant 0 : index
      %swap3A_28 = vector.load %arg2[%swap3A, %swap3A_27] : memref<8192x1xi32, #tpu.memory_space<vmem>>, vector<256x1xi32>
      tpu.vector_store %arg2[%swap3A, %swap3A_27], %scan3A_23#1 {strides = array<i32>} : memref<8192x1xi32, #tpu.memory_space<vmem>>, vector<256x1xi32>,
    }
    %scan3A_8 = arith.constant 32 : i32
    return
  }
}

</mosaic_0001>

<sc_bundles>
// kernel: kernel.5.cloned.1.call-start
scs
__scs_entry_jumppad:
0x0: {  	(pc) =	sbr.rel $0x88, $3  }
0x1: {  	(tag) =	ssettag $0x0;
	lr =	simm.s32 $0x1  }
0x2: {  	[smem:$0x3F9F] =	sst lr;
	_ =	strace $0xD0000000  }
0x3: {  	_ = 	snop  }
0x4: {  	_ = 	snop  }
0x5: {  	_ = 	snop  }
0x6: {  	_ = 	snop  }
0x7: {  	_ = 	snop  }
__scs_overlays_trampoline_lowered:
0x8: {  	[smem:$0x3FAE] =	sst s0  }
0x9: {  	[smem:$0x3FAF] =	sst s1  }
0xa: {  	[smem:$0x3FB0] =	sst s2  }
0xb: {  	[smem:$0x3FB1] =	sst s3  }
0xc: {  	[smem:$0x3FB2] =	sst s4  }
0xd: {  	[smem:$0x3FB3] =	sst s5  }
0xe: {  	[smem:$0x3FB4] =	sst s6  }
0xf: {  	[smem:$0x3FB5] =	sst s7  }
0x10: {  	[smem:$0x3FB6] =	sst s8  }
0x11: {  	[smem:$0x3FB7] =	sst s9;
	s0 =	simm.s32 @!p0 $0x0  }
0x12: {  	s1 =	sld [smem:$0x3F9D];
	s0 =	simm.s32 @p0 $0x1  }
0x13: {  	[smem:$0x3FB8] =	sst s0;
	s0 =	simm.s32 @!p1 $0x0  }
0x14: {  	s2 =	sld [smem:$0x3F9C];
	s0 =	simm.s32 @p1 $0x1  }
0x15: {  	[smem:$0x3FB9] =	sst s0;
	s0 =	simm.s32 @!p2 $0x0  }
0x16: {  	s3 =	sld [smem:$0x3FDB];
	s0 =	simm.s32 @p2 $0x1  }
0x17: {  	s4 =	simm.s32 $0x1BF5;
	[smem:$0x3FBB] =	sst s0  }
0x18: {  	s0 =	sld [smem:$0x3F9E];
	_ =	swait.ge [sflag:s4], $0x0  }
0x19: {  	s7 =	sld [smem:$0x3F9F]  }
0x1a: {  	s8 =	sadd.s32 $0xFFFFE003, lr  }
0x1b: {  	s9 =	sadd.s32 $0xFFFFFEF7, lr;
	s5 =	simm.s32 $0xFFFFFFFF;
	p2 =	slt.u32 s8, $0xFFFFF086  }
0x1c: {  	p1 =	slt.u32 s9, $0xF7A;
	s5 =	simm.s32 @!p2 $0x0  }
0x1d: {  	s5 =	simm.s32 @p1 $0x1;
	p0 =	seq.s32 s7, s2  }
0x1e: {  	s7 =	smul.u32 @!p0 $0xF7A, s2;
	p2 =	seq.s32 @!p0 s5, $0x0  }
0x1f: {  	s9 =	smul.u32 $0xF7A, s1;
	s8 =	simm.s32 @!p0 $0x1BF5;
	p2 =	por !p2, p0  }
0x20: {  	[sflag:s8] =	ssyncset.s32 @!p0 $0xFFFFF086;
	s6 =	sadd.s32 @!p0 s3, s7;
	s7 =	simm.s32 @!p0 $0x108  }
0x21: {  	s3 =	sadd.s32 s3, s9;
	s6 =	sadd.s32 @!p0 $0x88, s6;
	s7 =	simm.s32 @p2 $0x1082  }
0x22: {  	[simem:s7], [sflag:s8] =	dma.local @!p0 [hbm:s6], $0xF7A  }
0x23: {  	s9 =	sor.u32 $0xD0000000, s2;
	s6 =	simm.s32 $0x108;
	_ =	swait.ge @!p0 [sflag:s8], $0x0  }
0x24: {  	s3 =	sadd.s32 $0x88, s3;
	s6 =	simm.s32 @!p1 $0x1082;
	[sflag:s4] =	ssyncset.s32 $0xFFFFF086  }
0x25: {  	[simem:s6], [sflag:s4] =	dma.local [hbm:s3], $0xF7A  }
0x26: {  	[smem:$0x3F9F] =	sst s1;
	(tag) =	ssettag s2;
	_ =	strace s9  }
0x27: {  	s1 =	sld [smem:$0x3FAF]  }
0x28: {  	s2 =	sld [smem:$0x3FB0]  }
0x29: {  	s4 =	sld [smem:$0x3FB2]  }
0x2a: {  	p0 =	seq.s32 s5, $0x0;
	s5 =	sld [smem:$0x3FB3]  }
0x2b: {  	s6 =	sld [smem:$0x3FB4]  }
0x2c: {  	s7 =	sld [smem:$0x3FB5]  }
0x2d: {  	s3 =	simm.s32 $0x108;
	s8 =	sld [smem:$0x3FB6]  }
0x2e: {  	s3 =	simm.s32 @!p0 $0x1082;
	s9 =	sld [smem:$0x3FB7]  }
0x2f: {  	lr =	sadd.s32 s0, s3;
	s0 =	sld [smem:$0x3FAE]  }
0x30: {  	s3 =	sld [smem:$0x3FB1]  }
0x31: {  	[smem:$0x3FBA] =	sst s10  }
0x32: {  	s10 =	sld [smem:$0x3FB8];
	_ =	sdelay $0x3  }
0x33: {  	p0 =	seq.s32 s10, $0x1;
	s10 =	sld [smem:$0x3FBA];
	_ =	sdelay $0x3  }
0x34: {  	[smem:$0x3FBA] =	sst s10  }
0x35: {  	s10 =	sld [smem:$0x3FB9];
	_ =	sdelay $0x3  }
0x36: {  	p1 =	seq.s32 s10, $0x1;
	s10 =	sld [smem:$0x3FBA];
	_ =	sdelay $0x3  }
0x37: {  	[smem:$0x3FBA] =	sst s10  }
0x38: {  	s10 =	sld [smem:$0x3FBB]  }
0x39: {  	_ = 	snop;
	(pc) =	sbr.ind lr, $3  }
0x3a: {  	_ = 	snop  }
0x3b: {  	_ = 	snop  }
0x3c: {  	p2 =	seq.s32 s10, $0x1;
	s10 =	sld [smem:$0x3FBA]  }
0x3d: {  	_ =	shalt  }
0x3e: {  	_ =	shalt  }
0x3f: {  	_ =	shalt  }
0x40: {  	_ =	shalt  }
0x41: {  	_ =	shalt  }
0x42: {  	_ =	shalt  }
0x43: {  	_ =	shalt  }
0x44: {  	_ =	shalt  }
0x45: {  	_ =	shalt  }
0x46: {  	_ =	shalt  }
0x47: {  	_ =	shalt  }
0x48: {  	_ =	shalt  }
0x49: {  	_ =	shalt  }
0x4a: {  	_ =	shalt  }
0x4b: {  	_ =	shalt  }
0x4c: {  	_ =	shalt  }
0x4d: {  	_ =	shalt  }
0x4e: {  	_ =	shalt  }
0x4f: {  	_ =	shalt  }
0x50: {  	_ =	shalt  }
0x51: {  	_ =	shalt  }
0x52: {  	_ =	shalt  }
0x53: {  	_ =	shalt  }
0x54: {  	_ =	shalt  }
0x55: {  	_ =	shalt  }
0x56: {  	_ =	shalt  }
0x57: {  	_ =	shalt  }
0x58: {  	_ =	shalt  }
0x59: {  	_ =	shalt  }
0x5a: {  	_ =	shalt  }
0x5b: {  	_ =	shalt  }
0x5c: {  	_ =	shalt  }
0x5d: {  	_ =	shalt  }
0x5e: {  	_ =	shalt  }
0x5f: {  	_ =	shalt  }
0x60: {  	_ =	shalt  }
0x61: {  	_ =	shalt  }
0x62: {  	_ =	shalt  }
0x63: {  	_ =	shalt  }
0x64: {  	_ =	shalt  }
0x65: {  	_ =	shalt  }
0x66: {  	_ =	shalt  }
0x67: {  	_ =	shalt  }
0x68: {  	_ =	shalt  }
0x69: {  	_ =	shalt  }
0x6a: {  	_ =	shalt  }
0x6b: {  	_ =	shalt  }
0x6c: {  	_ =	shalt  }
0x6d: {  	_ =	shalt  }
0x6e: {  	_ =	shalt  }
0x6f: {  	_ =	shalt  }
0x70: {  	_ =	shalt  }
0x71: {  	_ =	shalt  }
0x72: {  	_ =	shalt  }
0x73: {  	_ =	shalt  }
0x74: {  	_ =	shalt  }
0x75: {  	_ =	shalt  }
0x76: {  	_ =	shalt  }
0x77: {  	_ =	shalt  }
0x78: {  	_ =	shalt  }
0x79: {  	_ =	shalt  }
0x7a: {  	_ =	shalt  }
0x7b: {  	_ =	shalt  }
0x7c: {  	_ =	shalt  }
0x7d: {  	_ =	shalt  }
0x7e: {  	_ =	shalt  }
0x7f: {  	_ =	shalt  }
0x80: {  	_ =	shalt  }
0x81: {  	_ =	shalt  }
0x82: {  	_ =	shalt  }
0x83: {  	_ =	shalt  }
0x84: {  	_ =	shalt  }
0x85: {  	_ =	shalt  }
0x86: {  	_ =	shalt  }
0x87: {  	_ =	shalt  }
.Lfunc_end0:
.L_simem_size_0:
called_computation_lowered:
.L_overlay_start_0:
0x88: {  	s2 =	sld [smem:$0x3FD9]  }
0x89: {  	s3 =	sld [smem:$0x3FFE];
	_ =	sdelay $0x1  }
0x8a: {  	s1 =	srdreg.scid  }
0x8b: {  	s0 =	sand.u32 $0x1, s1  }
0x8c: {  	s14 =	sshll.u32 s0, $0xA;
	s2 =	sadd.s32 s3, s2  }
0x8d: {  	s2 =	sadd.s32 s2, s14  }
0x8e: {  	[smem:$0x3FC6] =	sst s2  }
0x8f: {  	_ = 	snop  }
0x90: {  	s2 =	sld [smem:$0x3FD0];
	_ =	sdelay $0x2  }
0x91: {  	s4 =	simm.s32 $0xA;
	s5 =	simm.s32 $0x10;
	s15 =	sld [smem:$0x3FC8]  }
0x92: {  	[smem:s5], [sflag:s4] =	dma.local [hbm:s2], $0x1  }
0x93: {  	_ =	swait.eq [sflag:s4], $0x1  }
0x94: {  	[sflag:s4] =	ssyncset.done $0x0  }
0x95: {  	s16 =	sld [smem:$0x10];
	[sflag:s4] =	ssyncadd.s32 $0xFFFFFFFF  }
0x96: {  	s17 =	sld [smem:$0x12];
	(tm) =	ssettm $0x1  }
0x97: {  	s18 =	sld [smem:$0x3FFB];
	_ =	sdelay $0x3  }
0x98: {  	_ =	strace s18  }
0x99: {  	s5 =	sld [smem:$0x3FFC];
	_ =	sdelay $0x3  }
0x9a: {  	_ =	strace s5  }
0x9b: {  	s5 =	sld [smem:$0x3FFD];
	_ =	sdelay $0x3  }
0x9c: {  	_ =	strace s5  }
0x9d: {  	_ =	strace $0x8FFFFFFF  }
0x9e: {  	s19 =	sld [smem:$0x3FDB];
	_ =	sdelay $0x1  }
0x9f: {  	s6 =	simm.s32 $_scs_section_size  }
0xa0: {  	s7 =	simm.s32 $_size__tile_overlayer_lowered;
	s8 =	simm.s32 $_tile_overlayer_lowered  }
0xa1: {  	s22 =	simm.s32 $0x1BFF;
	s21 =	sshll.u32 s8, $0x1;
	s5 =	sadd.s32 s6, s19  }
0xa2: {  	s9 =	simm.s32 $0x0;
	s20 =	sshll.u32 s7, $0x1;
	s7 =	sadd.s32 s21, s5  }
0xa3: {  	[timem:s9], [sflag:s22] =	dma.local [hbm:s7], s20  }
0xa4: {  	_ =	swait.ge [sflag:s22], s20  }
0xa5: {  	s6 =	ssub.s32 $0x0, s20;
	[sflag:s22] =	ssyncset.done $0x0  }
0xa6: {  	[sflag:s22] =	ssyncadd.s32 s6;
	_ =	sdelay $0x1  }
0xa7: {  	s23 =	simm.s32 $0x1B8B  }
0xa8: {  	_ =	swait.ge [sflag:s23], $0x1  }
0xa9: {  	[sflag:s23] =	ssyncset.done $0x0  }
0xaa: {  	s25 =	simm.s32 $0x1B8E;
	s24 =	sld [smem:$0x3FFE];
	[sflag:s23] =	ssyncadd.s32 $0xFFFFFFFF  }
0xab: {  	s26 =	simm.s32 $execute0_lowered;
	[smem:$0x3FD2] =	sst s25  }
0xac: {  	s7 =	sshll.u32 s26, $0x1;
	_ =	strace $0x80000046;
	[dreg:$0x1] =	wrdreg $0xFFFFFFFF  }
0xad: {  	s28 =	simm.s32 $_size_execute0_lowered;
	s5 =	sadd.s32 s5, s7;
	[dreg:$0x0] =	wrdreg $0x0  }
0xae: {  	s7 =	sshll.u32 s28, $0x1;
	[dreg:$0x2] =	wrdreg s5  }
0xaf: {  	[dreg:$0x3] =	wrdreg s7  }
0xb0: {  	[dreg:$0x4] =	wrdreg $0xC0  }
0xb1: {  	_ =	task [dreg:s9], $0x5FFFF  }
0xb2: {  	[dreg:$0x1] =	wrdreg $0xFFFFFFFF  }
0xb3: {  	[dreg:$0x0] =	wrdreg $0x60  }
0xb4: {  	[dreg:$0x2] =	wrdreg s15  }
0xb5: {  	[dreg:$0x3] =	wrdreg s17  }
0xb6: {  	[dreg:$0x4] =	wrdreg s16  }
0xb7: {  	[dreg:$0x5] =	wrdreg s24  }
0xb8: {  	[dreg:$0x6] =	wrdreg $0x9  }
0xb9: {  	_ =	task.clear_ibuf [dreg:s9], $0x7FFFF;
	_ =	strace $0x90000046  }
0xba: {  	s29 =	simm.s32 $0x9;
	_ =	strace $0x80000048  }
0xbb: {  	_ =	swait.ge [sflag:s29], $0x1  }
0xbc: {  	[sflag:s29] =	ssyncadd.s32 $0xFFFFFFFF  }
0xbd: {  	_ =	strace $0x90000048  }
0xbe: {  	_ =	sfence  }
0xbf: {  	s30 =	sld [smem:$0x0];
	_ =	sdelay $0x2  }
0xc0: {  	s31 =	sshll.u32 s1, $0xD;
	s1 =	sshrl.u32 s1, $0x2  }
0xc1: {  	s3 =	sand.u32 $0x4000, s31;
	s1 =	sadd.s32 s1, s30  }
0xc2: {  	s0 =	sor.u32 s3, s0;
	s1 =	sshll.u32 s1, $0x11  }
0xc3: {  	s0 =	sor.u32 s1, s0  }
0xc4: {  	s0 =	sadd.s32 $0x8F2B, s0  }
0xc5: {  	[sflag:s0] =	ssyncadd.remote.s32 $0x1  }
0xc6: {  	_ =	sfence.sel $0xFFFF  }
0xc7: {  	[dreg:$0x0] =	wrdreg $0xFFFFFFFF;
	(pc) =	sbr.abs _section_cstart, $3  }
0xc8: {  	[dreg:$0x1] =	wrdreg $0xFFFFFFFF  }
0xc9: {  	_ =	task.clear_ibuf [dreg:s9], $0x2FFFF;
	_ =	strace $0x9FFFFFFF  }
0xca: {  	(tm) =	ssettm $0x7FFFFFFF  }
0xcb: {  	_ =	shalt  }
tec
execute0_lowered:
.L_overlay_start_1:
0x0: {  	(tag) =	ssettag $0x1  }
0x1: {  	s1 =	rddreg [dreg:$0x0]  }
0x2: {  	s2 =	rddreg [dreg:$0x1]  }
0x3: {  	s0 =	srdreg.scid;
	s5 =	rddreg [dreg:$0x2]  }
0x4: {  	s3 =	stileid.u32;
	s6 =	rddreg [dreg:$0x3]  }
0x5: {  	s26 =	simm.s32 $0x8900;
	s28 =	simm.s32 $0x9100;
	s29 =	simm.s32 $0x9900  }
0x6: {  	s30 =	simm.s32 $0xA100;
	s31 =	simm.s32 $0xA900;
	s10 =	simm.s32 $0xC100  }
0x7: {  	s11 =	simm.s32 $0xC900;
	s12 =	simm.s32 $0xD100;
	s13 =	simm.s32 $0xD900  }
0x8: {  	s14 =	simm.s32 $0xE100;
	s15 =	simm.s32 $0xE900;
	s16 =	simm.s32 $0xF100  }
0x9: {  	s17 =	simm.s32 $0xF900;
	s18 =	simm.s32 $0x10100;
	s19 =	simm.s32 $0x1  }
0xa: {  	s20 =	simm.s32 $0x80;
	s0 =	sand.u32 $0x1, s0;
	s3 =	sshll.u32 s3, $0x1  }
0xb: {  	v2 =	vlaneseq.u32;
	vm0 =	vmmov $0xffff;
	s21 =	simm.s32 $0x400;
	s22 =	simm.s32 $0x0;
	s4 =	sor.u32 s0, s3  }
0xc: {  	v3 =	vimm.s32 $0x0;
	v4 =	vimm.s32 $0x1;
	vm1 =	vcmask $0x704;
	s3 =	simm.s32 $0x0;
	s0 =	ssub.s32 $0x2, s0;
	s7 =	sshll.u32 s4, $0xD  }
0xd: {  	vm2 =	vcmask $0xB08;
	vm3 =	vcmask $0xF0C;
	vm4 =	vcmask $0x1310;
	s8 =	sshll.u32 s4, $0x7;
	[smem:$0x7FF] =	sst s3;
	s9 =	sshrl.u32 s0, $0x1  }
0xe: {  	vm5 =	vcmask $0x1714;
	vm6 =	vcmask $0x1B18;
	vm15 =	vcmask $0x3F3C;
	s4 =	sshll.u32 s4, $0x5;
	s8 =	sor.u32 s8, s7;
	_ =	strace $0x80000047  }
0xf: {  	vm7 =	vcmask $0x1F1C;
	vm8 =	vcmask $0x2320;
	vm9 =	vcmask $0x2724;
	s0 =	ssub.s32 s0, s9;
	s4 =	sadd.s32 s2, s4;
	s8 =	sand.u32 $0x30380, s8  }
0x10: {  	vm10 =	vcmask $0x2B28;
	vm11 =	vcmask $0x2F2C;
	vm12 =	vcmask $0x3330;
	s5 =	sadd.s32 s5, s7;
	s9 =	simm.s32 $0x100;
	s8 =	sshrl.u32 s8, $0x3  }
0x11: {  	vm13 =	vcmask $0x3734;
	vm14 =	vcmask $0x3B38;
	v1 =	vshrl.u32 v2, $0x3;
	s2 =	simm.s32 $0xB100;
	s7 =	smax.u32 s0, $0x1;
	s6 =	sadd.s32 s8, s6  }
0x12: {  	v0 =	vand.u32 $0x7, v2;
	v2 =	vor.u32 $0x8, v2;
	v1 =	vmul.u32 $0x8, v1;
	s0 =	simm.s32 $0xB900;
	s8 =	simm.s32 $0x2;
	s6 =	sadd.s32 $0x1600, s6  }
.LBB2_1:
0x13: {  	[tilespmem:s3], [sflag:$0x2] =	stream.linear.gather [hbm4b:s4+s3], $0x100, $0x38;
	[tilespmem:$0x12100] =	vst v63  }
0x14: {  	_ =	swait.ge [sflag:s8], $0x100  }
0x15: {  	[sflag:s8] =	ssyncset.done $0x0  }
0x16: {  	[sflag:s8] =	ssyncadd.s32 $0xFFFFFF00  }
0x17: {  	v5 =	vld [tilespmem:$0x0];
	_ =	sdelay $0x4  }
0x18: {  	v6 =	vshll.u32 v5, $0x1  }
0x19: {  	v5 =	vand.u32 $0x7, v5;
	v6 =	vand.u32 $0xFFFFFFF0, v6  }
0x1a: {  	v5 =	vor.u32 v5, v6  }
0x1b: {  	v6 =	vperm.xlane v5, v0;
	_ =	sdelay $0x1  }
0x1c: {  	v5 =	vperm.xlane v5, v2;
	v6 =	vadd.s32 v1, v6;
	_ =	sdelay $0x1  }
0x1d: {  	v5 =	vadd.s32 v1, v5;
	_ =	sdelay $0x2  }
0x1e: {  	[tilespmem:s9], [sflag:$0x1] =	stream.indirect_vreg.gather [hbm4b:s1+s3], $0x80, v6, vm0, $0xb8;
	[tilespmem:$0x12100] =	vst v63  }
0x1f: {  	s23 =	simm.s32 $0x900  }
0x20: {  	[tilespmem:s23], [sflag:$0x1] =	stream.indirect_vreg.gather [hbm4b:s1+s3], $0x80, v5, vm0, $0xb8;
	[tilespmem:$0x12100] =	vst v63  }
0x21: {  	v5 =	vld [tilespmem:$0x10];
	_ =	sdelay $0x4  }
0x22: {  	v6 =	vshll.u32 v5, $0x1  }
0x23: {  	v5 =	vand.u32 $0x7, v5;
	v6 =	vand.u32 $0xFFFFFFF0, v6  }
0x24: {  	v5 =	vor.u32 v5, v6  }
0x25: {  	v6 =	vperm.xlane v5, v0;
	_ =	sdelay $0x1  }
0x26: {  	v5 =	vperm.xlane v5, v2;
	v6 =	vadd.s32 v1, v6;
	_ =	sdelay $0x1  }
0x27: {  	v5 =	vadd.s32 v1, v5;
	_ =	sdelay $0x1  }
0x28: {  	s25 =	simm.s32 $0x1100  }
0x29: {  	[tilespmem:s25], [sflag:$0x1] =	stream.indirect_vreg.gather [hbm4b:s1+s3], $0x80, v6, vm0, $0xb8;
	[tilespmem:$0x12100] =	vst v63  }
0x2a: {  	s24 =	simm.s32 $0x1900  }
0x2b: {  	[tilespmem:s24], [sflag:$0x1] =	stream.indirect_vreg.gather [hbm4b:s1+s3], $0x80, v5, vm0, $0xb8;
	[tilespmem:$0x12100] =	vst v63  }
0x2c: {  	v5 =	vld [tilespmem:$0x20];
	_ =	sdelay $0x4  }
0x2d: {  	v6 =	vshll.u32 v5, $0x1  }
0x2e: {  	v5 =	vand.u32 $0x7, v5;
	v6 =	vand.u32 $0xFFFFFFF0, v6  }
0x2f: {  	v5 =	vor.u32 v5, v6  }
0x30: {  	v6 =	vperm.xlane v5, v0;
	_ =	sdelay $0x1  }
0x31: {  	v5 =	vperm.xlane v5, v2;
	v6 =	vadd.s32 v1, v6;
	_ =	sdelay $0x1  }
0x32: {  	v5 =	vadd.s32 v1, v5;
	_ =	sdelay $0x1  }
0x33: {  	s25 =	simm.s32 $0x2100  }
0x34: {  	[tilespmem:s25], [sflag:$0x1] =	stream.indirect_vreg.gather [hbm4b:s1+s3], $0x80, v6, vm0, $0xb8;
	[tilespmem:$0x12100] =	vst v63  }
0x35: {  	s24 =	simm.s32 $0x2900  }
0x36: {  	[tilespmem:s24], [sflag:$0x1] =	stream.indirect_vreg.gather [hbm4b:s1+s3], $0x80, v5, vm0, $0xb8;
	[tilespmem:$0x12100] =	vst v63  }
0x37: {  	v5 =	vld [tilespmem:$0x30];
	_ =	sdelay $0x4  }
0x38: {  	v6 =	vshll.u32 v5, $0x1  }
0x39: {  	v5 =	vand.u32 $0x7, v5;
	v6 =	vand.u32 $0xFFFFFFF0, v6  }
0x3a: {  	v5 =	vor.u32 v5, v6  }
0x3b: {  	v6 =	vperm.xlane v5, v0;
	_ =	sdelay $0x1  }
0x3c: {  	v5 =	vperm.xlane v5, v2;
	v6 =	vadd.s32 v1, v6;
	_ =	sdelay $0x1  }
0x3d: {  	v5 =	vadd.s32 v1, v5;
	_ =	sdelay $0x1  }
0x3e: {  	s25 =	simm.s32 $0x3100  }
0x3f: {  	[tilespmem:s25], [sflag:$0x1] =	stream.indirect_vreg.gather [hbm4b:s1+s3], $0x80, v6, vm0, $0xb8;
	[tilespmem:$0x12100] =	vst v63  }
0x40: {  	s24 =	simm.s32 $0x3900  }
0x41: {  	[tilespmem:s24], [sflag:$0x1] =	stream.indirect_vreg.gather [hbm4b:s1+s3], $0x80, v5, vm0, $0xb8;
	[tilespmem:$0x12100] =	vst v63  }
0x42: {  	v5 =	vld [tilespmem:$0x40];
	_ =	sdelay $0x4  }
0x43: {  	v6 =	vshll.u32 v5, $0x1  }
0x44: {  	v5 =	vand.u32 $0x7, v5;
	v6 =	vand.u32 $0xFFFFFFF0, v6  }
0x45: {  	v5 =	vor.u32 v5, v6  }
0x46: {  	v6 =	vperm.xlane v5, v0;
	_ =	sdelay $0x1  }
0x47: {  	v5 =	vperm.xlane v5, v2;
	v6 =	vadd.s32 v1, v6;
	_ =	sdelay $0x1  }
0x48: {  	v5 =	vadd.s32 v1, v5;
	_ =	sdelay $0x1  }
0x49: {  	s25 =	simm.s32 $0x4100  }
0x4a: {  	[tilespmem:s25], [sflag:$0x1] =	stream.indirect_vreg.gather [hbm4b:s1+s3], $0x80, v6, vm0, $0xb8;
	[tilespmem:$0x12100] =	vst v63  }
0x4b: {  	s24 =	simm.s32 $0x4900  }
0x4c: {  	[tilespmem:s24], [sflag:$0x1] =	stream.indirect_vreg.gather [hbm4b:s1+s3], $0x80, v5, vm0, $0xb8;
	[tilespmem:$0x12100] =	vst v63  }
0x4d: {  	v5 =	vld [tilespmem:$0x50];
	_ =	sdelay $0x4  }
0x4e: {  	v6 =	vshll.u32 v5, $0x1  }
0x4f: {  	v5 =	vand.u32 $0x7, v5;
	v6 =	vand.u32 $0xFFFFFFF0, v6  }
0x50: {  	v5 =	vor.u32 v5, v6  }
0x51: {  	v6 =	vperm.xlane v5, v0;
	_ =	sdelay $0x1  }
0x52: {  	v5 =	vperm.xlane v5, v2;
	v6 =	vadd.s32 v1, v6;
	_ =	sdelay $0x1  }
0x53: {  	v5 =	vadd.s32 v1, v5;
	_ =	sdelay $0x1  }
0x54: {  	s25 =	simm.s32 $0x5100  }
0x55: {  	[tilespmem:s25], [sflag:$0x1] =	stream.indirect_vreg.gather [hbm4b:s1+s3], $0x80, v6, vm0, $0xb8;
	[tilespmem:$0x12100] =	vst v63  }
0x56: {  	s24 =	simm.s32 $0x5900  }
0x57: {  	[tilespmem:s24], [sflag:$0x1] =	stream.indirect_vreg.gather [hbm4b:s1+s3], $0x80, v5, vm0, $0xb8;
	[tilespmem:$0x12100] =	vst v63  }
0x58: {  	v5 =	vld [tilespmem:$0x60];
	_ =	sdelay $0x4  }
0x59: {  	v6 =	vshll.u32 v5, $0x1  }
0x5a: {  	v5 =	vand.u32 $0x7, v5;
	v6 =	vand.u32 $0xFFFFFFF0, v6  }
0x5b: {  	v5 =	vor.u32 v5, v6  }
0x5c: {  	v6 =	vperm.xlane v5, v0;
	_ =	sdelay $0x1  }
0x5d: {  	v5 =	vperm.xlane v5, v2;
	v6 =	vadd.s32 v1, v6;
	_ =	sdelay $0x1  }
0x5e: {  	v5 =	vadd.s32 v1, v5;
	_ =	sdelay $0x1  }
0x5f: {  	s25 =	simm.s32 $0x6100  }
0x60: {  	[tilespmem:s25], [sflag:$0x1] =	stream.indirect_vreg.gather [hbm4b:s1+s3], $0x80, v6, vm0, $0xb8;
	[tilespmem:$0x12100] =	vst v63  }
0x61: {  	s24 =	simm.s32 $0x6900  }
0x62: {  	[tilespmem:s24], [sflag:$0x1] =	stream.indirect_vreg.gather [hbm4b:s1+s3], $0x80, v5, vm0, $0xb8;
	[tilespmem:$0x12100] =	vst v63  }
0x63: {  	v5 =	vld [tilespmem:$0x70];
	_ =	sdelay $0x4  }
0x64: {  	v6 =	vshll.u32 v5, $0x1  }
0x65: {  	v5 =	vand.u32 $0x7, v5;
	v6 =	vand.u32 $0xFFFFFFF0, v6  }
0x66: {  	v5 =	vor.u32 v5, v6  }
0x67: {  	v6 =	vperm.xlane v5, v0;
	_ =	sdelay $0x1  }
0x68: {  	v5 =	vperm.xlane v5, v2;
	v6 =	vadd.s32 v1, v6;
	_ =	sdelay $0x1  }
0x69: {  	v5 =	vadd.s32 v1, v5;
	_ =	sdelay $0x1  }
0x6a: {  	s25 =	simm.s32 $0x7100  }
0x6b: {  	[tilespmem:s25], [sflag:$0x1] =	stream.indirect_vreg.gather [hbm4b:s1+s3], $0x80, v6, vm0, $0xb8;
	[tilespmem:$0x12100] =	vst v63  }
0x6c: {  	s24 =	simm.s32 $0x7900  }
0x6d: {  	[tilespmem:s24], [sflag:$0x1] =	stream.indirect_vreg.gather [hbm4b:s1+s3], $0x80, v5, vm0, $0xb8;
	[tilespmem:$0x12100] =	vst v63  }
0x6e: {  	v5 =	vld [tilespmem:$0x80];
	_ =	sdelay $0x4  }
0x6f: {  	v6 =	vshll.u32 v5, $0x1  }
0x70: {  	v5 =	vand.u32 $0x7, v5;
	v6 =	vand.u32 $0xFFFFFFF0, v6  }
0x71: {  	v5 =	vor.u32 v5, v6  }
0x72: {  	v6 =	vperm.xlane v5, v0;
	_ =	sdelay $0x1  }
0x73: {  	v5 =	vperm.xlane v5, v2;
	v6 =	vadd.s32 v1, v6;
	_ =	sdelay $0x1  }
0x74: {  	v5 =	vadd.s32 v1, v5;
	_ =	sdelay $0x1  }
0x75: {  	s25 =	simm.s32 $0x8100  }
0x76: {  	[tilespmem:s25], [sflag:$0x1] =	stream.indirect_vreg.gather [hbm4b:s1+s3], $0x80, v6, vm0, $0xb8;
	[tilespmem:$0x12100] =	vst v63  }
0x77: {  	_ = 	snop  }
0x78: {  	[tilespmem:s26], [sflag:$0x1] =	stream.indirect_vreg.gather [hbm4b:s1+s3], $0x80, v5, vm0, $0xb8;
	[tilespmem:$0x12100] =	vst v63  }
0x79: {  	v5 =	vld [tilespmem:$0x90];
	_ =	sdelay $0x4  }
0x7a: {  	v6 =	vshll.u32 v5, $0x1  }
0x7b: {  	v5 =	vand.u32 $0x7, v5;
	v6 =	vand.u32 $0xFFFFFFF0, v6  }
0x7c: {  	v5 =	vor.u32 v5, v6  }
0x7d: {  	v6 =	vperm.xlane v5, v0;
	_ =	sdelay $0x1  }
0x7e: {  	v5 =	vperm.xlane v5, v2;
	v6 =	vadd.s32 v1, v6;
	_ =	sdelay $0x1  }
0x7f: {  	v5 =	vadd.s32 v1, v5;
	_ =	sdelay $0x2  }
0x80: {  	[tilespmem:s28], [sflag:$0x1] =	stream.indirect_vreg.gather [hbm4b:s1+s3], $0x80, v6, vm0, $0xb8;
	[tilespmem:$0x12100] =	vst v63  }
0x81: {  	_ = 	snop  }
0x82: {  	[tilespmem:s29], [sflag:$0x1] =	stream.indirect_vreg.gather [hbm4b:s1+s3], $0x80, v5, vm0, $0xb8;
	[tilespmem:$0x12100] =	vst v63  }
0x83: {  	v5 =	vld [tilespmem:$0xA0];
	_ =	sdelay $0x4  }
0x84: {  	v6 =	vshll.u32 v5, $0x1  }
0x85: {  	v5 =	vand.u32 $0x7, v5;
	v6 =	vand.u32 $0xFFFFFFF0, v6  }
0x86: {  	v5 =	vor.u32 v5, v6  }
0x87: {  	v6 =	vperm.xlane v5, v0;
	_ =	sdelay $0x1  }
0x88: {  	v5 =	vperm.xlane v5, v2;
	v6 =	vadd.s32 v1, v6;
	_ =	sdelay $0x1  }
0x89: {  	v5 =	vadd.s32 v1, v5;
	_ =	sdelay $0x2  }
0x8a: {  	[tilespmem:s30], [sflag:$0x1] =	stream.indirect_vreg.gather [hbm4b:s1+s3], $0x80, v6, vm0, $0xb8;
	[tilespmem:$0x12100] =	vst v63  }
0x8b: {  	_ = 	snop  }
0x8c: {  	[tilespmem:s31], [sflag:$0x1] =	stream.indirect_vreg.gather [hbm4b:s1+s3], $0x80, v5, vm0, $0xb8;
	[tilespmem:$0x12100] =	vst v63  }
0x8d: {  	v5 =	vld [tilespmem:$0xB0];
	_ =	sdelay $0x4  }
0x8e: {  	v6 =	vshll.u32 v5, $0x1  }
0x8f: {  	v5 =	vand.u32 $0x7, v5;
	v6 =	vand.u32 $0xFFFFFFF0, v6  }
0x90: {  	v5 =	vor.u32 v5, v6  }
0x91: {  	v6 =	vperm.xlane v5, v0;
	_ =	sdelay $0x1  }
0x92: {  	v5 =	vperm.xlane v5, v2;
	v6 =	vadd.s32 v1, v6;
	_ =	sdelay $0x1  }
0x93: {  	v5 =	vadd.s32 v1, v5;
	_ =	sdelay $0x2  }
0x94: {  	[tilespmem:s2], [sflag:$0x1] =	stream.indirect_vreg.gather [hbm4b:s1+s3], $0x80, v6, vm0, $0xb8;
	[tilespmem:$0x12100] =	vst v63  }
0x95: {  	_ = 	snop  }
0x96: {  	[tilespmem:s0], [sflag:$0x1] =	stream.indirect_vreg.gather [hbm4b:s1+s3], $0x80, v5, vm0, $0xb8;
	[tilespmem:$0x12100] =	vst v63  }
0x97: {  	v5 =	vld [tilespmem:$0xC0];
	_ =	sdelay $0x4  }
0x98: {  	v6 =	vshll.u32 v5, $0x1  }
0x99: {  	v5 =	vand.u32 $0x7, v5;
	v6 =	vand.u32 $0xFFFFFFF0, v6  }
0x9a: {  	v5 =	vor.u32 v5, v6  }
0x9b: {  	v6 =	vperm.xlane v5, v0;
	_ =	sdelay $0x1  }
0x9c: {  	v5 =	vperm.xlane v5, v2;
	v6 =	vadd.s32 v1, v6;
	_ =	sdelay $0x1  }
0x9d: {  	v5 =	vadd.s32 v1, v5;
	_ =	sdelay $0x2  }
0x9e: {  	[tilespmem:s10], [sflag:$0x1] =	stream.indirect_vreg.gather [hbm4b:s1+s3], $0x80, v6, vm0, $0xb8;
	[tilespmem:$0x12100] =	vst v63  }
0x9f: {  	_ = 	snop  }
0xa0: {  	[tilespmem:s11], [sflag:$0x1] =	stream.indirect_vreg.gather [hbm4b:s1+s3], $0x80, v5, vm0, $0xb8;
	[tilespmem:$0x12100] =	vst v63  }
0xa1: {  	v5 =	vld [tilespmem:$0xD0];
	_ =	sdelay $0x4  }
0xa2: {  	v6 =	vshll.u32 v5, $0x1  }
0xa3: {  	v5 =	vand.u32 $0x7, v5;
	v6 =	vand.u32 $0xFFFFFFF0, v6  }
0xa4: {  	v5 =	vor.u32 v5, v6  }
0xa5: {  	v6 =	vperm.xlane v5, v0;
	_ =	sdelay $0x1  }
0xa6: {  	v5 =	vperm.xlane v5, v2;
	v6 =	vadd.s32 v1, v6;
	_ =	sdelay $0x1  }
0xa7: {  	v5 =	vadd.s32 v1, v5;
	_ =	sdelay $0x2  }
0xa8: {  	[tilespmem:s12], [sflag:$0x1] =	stream.indirect_vreg.gather [hbm4b:s1+s3], $0x80, v6, vm0, $0xb8;
	[tilespmem:$0x12100] =	vst v63  }
0xa9: {  	_ = 	snop  }
0xaa: {  	[tilespmem:s13], [sflag:$0x1] =	stream.indirect_vreg.gather [hbm4b:s1+s3], $0x80, v5, vm0, $0xb8;
	[tilespmem:$0x12100] =	vst v63  }
0xab: {  	v5 =	vld [tilespmem:$0xE0];
	_ =	sdelay $0x4  }
0xac: {  	v6 =	vshll.u32 v5, $0x1  }
0xad: {  	v5 =	vand.u32 $0x7, v5;
	v6 =	vand.u32 $0xFFFFFFF0, v6  }
0xae: {  	v5 =	vor.u32 v5, v6  }
0xaf: {  	v6 =	vperm.xlane v5, v0;
	_ =	sdelay $0x1  }
0xb0: {  	v5 =	vperm.xlane v5, v2;
	v6 =	vadd.s32 v1, v6;
	_ =	sdelay $0x1  }
0xb1: {  	v5 =	vadd.s32 v1, v5;
	_ =	sdelay $0x2  }
0xb2: {  	[tilespmem:s14], [sflag:$0x1] =	stream.indirect_vreg.gather [hbm4b:s1+s3], $0x80, v6, vm0, $0xb8;
	[tilespmem:$0x12100] =	vst v63  }
0xb3: {  	_ = 	snop  }
0xb4: {  	[tilespmem:s15], [sflag:$0x1] =	stream.indirect_vreg.gather [hbm4b:s1+s3], $0x80, v5, vm0, $0xb8;
	[tilespmem:$0x12100] =	vst v63  }
0xb5: {  	v5 =	vld [tilespmem:$0xF0];
	_ =	sdelay $0x4  }
0xb6: {  	v6 =	vshll.u32 v5, $0x1  }
0xb7: {  	v5 =	vand.u32 $0x7, v5;
	v6 =	vand.u32 $0xFFFFFFF0, v6  }
0xb8: {  	v5 =	vor.u32 v5, v6  }
0xb9: {  	v6 =	vperm.xlane v5, v0;
	_ =	sdelay $0x1  }
0xba: {  	v5 =	vperm.xlane v5, v2;
	v6 =	vadd.s32 v1, v6;
	_ =	sdelay $0x1  }
0xbb: {  	v5 =	vadd.s32 v1, v5;
	_ =	sdelay $0x2  }
0xbc: {  	[tilespmem:s16], [sflag:$0x1] =	stream.indirect_vreg.gather [hbm4b:s1+s3], $0x80, v6, vm0, $0xb8;
	[tilespmem:$0x12100] =	vst v63  }
0xbd: {  	s23 =	simm.s32 $0x0  }
0xbe: {  	[tilespmem:s17], [sflag:$0x1] =	stream.indirect_vreg.gather [hbm4b:s1+s3], $0x80, v5, vm0, $0xb8;
	[tilespmem:$0x12100] =	vst v63  }
.LBB2_2:
0xbf: {  	p0 =	sne.s32 s23, $0x7FC0  }
.Ltmp0:
0xc0: {  	_ = 	snop;
	(pc) =	sbr.rel @p0 .LBB2_2-.Ltmp0, $3  }
0xc1: {  	_ =	sdelay $0x1  }
0xc2: {  	s24 =	sshra.s32 s23, $0x2  }
0xc3: {  	s23 =	sadd.s32 $0x40, s23;
	[tilespmem:s24+$0x10100] =	vst v3  }
0xc4: {  	s23 =	simm.s32 $0x0  }
0xc5: {  	v5 =	vld [tilespmem:s23+$0x0];
	_ =	sdelay $0x7  }
0xc6: {  	[tilespmem:v5+s18+$0x0] =	vst.idx.add.s32.msk $0x1, v4  }
0xc7: {  	[tilespmem:v5+s18+$0x0] =	vst.idx.add.s32.msk vm1, v4  }
0xc8: {  	[tilespmem:v5+s18+$0x0] =	vst.idx.add.s32.msk vm2, v4  }
0xc9: {  	[tilespmem:v5+s18+$0x0] =	vst.idx.add.s32.msk vm3, v4  }
0xca: {  	[tilespmem:v5+s18+$0x0] =	vst.idx.add.s32.msk vm4, v4  }
0xcb: {  	[tilespmem:v5+s18+$0x0] =	vst.idx.add.s32.msk vm5, v4  }
0xcc: {  	[tilespmem:v5+s18+$0x0] =	vst.idx.add.s32.msk vm6, v4  }
0xcd: {  	[tilespmem:v5+s18+$0x0] =	vst.idx.add.s32.msk vm7, v4  }
0xce: {  	[tilespmem:v5+s18+$0x0] =	vst.idx.add.s32.msk vm8, v4  }
0xcf: {  	[tilespmem:v5+s18+$0x0] =	vst.idx.add.s32.msk vm9, v4  }
0xd0: {  	[tilespmem:v5+s18+$0x0] =	vst.idx.add.s32.msk vm10, v4  }
0xd1: {  	[tilespmem:v5+s18+$0x0] =	vst.idx.add.s32.msk vm11, v4  }
0xd2: {  	[tilespmem:v5+s18+$0x0] =	vst.idx.add.s32.msk vm12, v4  }
0xd3: {  	[tilespmem:v5+s18+$0x0] =	vst.idx.add.s32.msk vm13, v4  }
0xd4: {  	s24 =	simm.s32 $0x80;
	s23 =	simm.s32 $0x40;
	[tilespmem:v5+s18+$0x0] =	vst.idx.add.s32.msk vm14, v4  }
.LBB2_4:
0xd5: {  	p0 =	sne.s32 s24, $0x3C0  }
0xd6: {  	s25 =	sshra.s32 s23, $0x2;
	[tilespmem:v5+s18+$0x0] =	vst.idx.add.s32.msk vm15, v4;
	s23 =	smov.u32 s24;
	s24 =	sadd.s32 $0x40, s24  }
0xd7: {  	v5 =	vld [tilespmem:s25+$0x0];
	_ =	sdelay $0x7  }
0xd8: {  	[tilespmem:v5+s18+$0x0] =	vst.idx.add.s32.msk $0x1, v4  }
0xd9: {  	[tilespmem:v5+s18+$0x0] =	vst.idx.add.s32.msk vm1, v4  }
0xda: {  	[tilespmem:v5+s18+$0x0] =	vst.idx.add.s32.msk vm2, v4  }
0xdb: {  	[tilespmem:v5+s18+$0x0] =	vst.idx.add.s32.msk vm3, v4  }
0xdc: {  	[tilespmem:v5+s18+$0x0] =	vst.idx.add.s32.msk vm4, v4  }
0xdd: {  	[tilespmem:v5+s18+$0x0] =	vst.idx.add.s32.msk vm5, v4  }
0xde: {  	[tilespmem:v5+s18+$0x0] =	vst.idx.add.s32.msk vm6, v4  }
0xdf: {  	[tilespmem:v5+s18+$0x0] =	vst.idx.add.s32.msk vm7, v4  }
0xe0: {  	[tilespmem:v5+s18+$0x0] =	vst.idx.add.s32.msk vm8, v4  }
0xe1: {  	[tilespmem:v5+s18+$0x0] =	vst.idx.add.s32.msk vm9, v4  }
.Ltmp1:
0xe2: {  	[tilespmem:v5+s18+$0x0] =	vst.idx.add.s32.msk vm10, v4;
	(pc) =	sbr.rel @p0 .LBB2_4-.Ltmp1, $4  }
0xe3: {  	[tilespmem:v5+s18+$0x0] =	vst.idx.add.s32.msk vm11, v4  }
0xe4: {  	[tilespmem:v5+s18+$0x0] =	vst.idx.add.s32.msk vm12, v4  }
0xe5: {  	[tilespmem:v5+s18+$0x0] =	vst.idx.add.s32.msk vm13, v4  }
0xe6: {  	[tilespmem:v5+s18+$0x0] =	vst.idx.add.s32.msk vm14, v4  }
0xe7: {  	_ =	sdelay $0x4  }
0xe8: {  	s23 =	sshra.s32 s23, $0x2;
	[tilespmem:v5+s18+$0x0] =	vst.idx.add.s32.msk vm15, v4  }
0xe9: {  	v5 =	vld [tilespmem:s23+$0x0];
	_ =	sdelay $0x7  }
0xea: {  	[tilespmem:v5+s18+$0x0] =	vst.idx.add.s32.msk $0x1, v4  }
0xeb: {  	[tilespmem:v5+s18+$0x0] =	vst.idx.add.s32.msk vm1, v4  }
0xec: {  	[tilespmem:v5+s18+$0x0] =	vst.idx.add.s32.msk vm2, v4  }
0xed: {  	[tilespmem:v5+s18+$0x0] =	vst.idx.add.s32.msk vm3, v4  }
0xee: {  	[tilespmem:v5+s18+$0x0] =	vst.idx.add.s32.msk vm4, v4  }
0xef: {  	[tilespmem:v5+s18+$0x0] =	vst.idx.add.s32.msk vm5, v4  }
0xf0: {  	[tilespmem:v5+s18+$0x0] =	vst.idx.add.s32.msk vm6, v4  }
0xf1: {  	[tilespmem:v5+s18+$0x0] =	vst.idx.add.s32.msk vm7, v4  }
0xf2: {  	[tilespmem:v5+s18+$0x0] =	vst.idx.add.s32.msk vm8, v4  }
0xf3: {  	[tilespmem:v5+s18+$0x0] =	vst.idx.add.s32.msk vm9, v4  }
0xf4: {  	[tilespmem:v5+s18+$0x0] =	vst.idx.add.s32.msk vm10, v4  }
0xf5: {  	[tilespmem:v5+s18+$0x0] =	vst.idx.add.s32.msk vm11, v4  }
0xf6: {  	[tilespmem:v5+s18+$0x0] =	vst.idx.add.s32.msk vm12, v4  }
0xf7: {  	[tilespmem:v5+s18+$0x0] =	vst.idx.add.s32.msk vm13, v4  }
0xf8: {  	[tilespmem:v5+s18+$0x0] =	vst.idx.add.s32.msk vm14, v4  }
0xf9: {  	[tilespmem:v5+s18+$0x0] =	vst.idx.add.s32.msk vm15, v4  }
0xfa: {  	_ =	swait.ge [sflag:s19], $0x10000  }
0xfb: {  	[sflag:s19] =	ssyncset.done $0x0  }
0xfc: {  	[sflag:s19] =	ssyncadd.s32 $0xFFFF0000  }
0xfd: {  	[hbm4b:s5+s3] =	stream.linear.scatter [tilespmem:s9], [sflag:$0x2], $0x10000, $0x38;
	[tilespmem:$0x12100] =	vst v63  }
0xfe: {  	s22 =	sadd.s32 $0x1, s22;
	_ =	swait.ge [sflag:s8], $0x10000  }
0xff: {  	p0 =	sne.s32 s22, s7;
	[sflag:s8] =	ssyncset.done $0x0  }
.Ltmp2:
0x100: {  	[sflag:s8] =	ssyncadd.s32 $0xFFFF0000;
	(pc) =	sbr.rel @p0 .LBB2_1-.Ltmp2, $4  }
0x101: {  	[hbm4b:s6+s20] =	stream.strided.scatter [tilespmem:s18], [sflag:$0x2], $0x2000, s21, s20, $0x38;
	[tilespmem:$0x12100] =	vst v63  }
0x102: {  	_ =	swait.ge [sflag:s8], $0x2000  }
0x103: {  	[sflag:s8] =	ssyncset.done $0x0  }
0x104: {  	[sflag:s8] =	ssyncadd.s32 $0xFFFFE000  }
0x105: {  	_ =	sfence.sel $0x180000  }
0x106: {  	[bflag:$0x0] =	sbarrier.arrive $0xFFFF  }
0x107: {  	_ =	strace $0x90000047  }
0x108: {  	s0 =	stileid.u32;
	[bflag:$0x2] =	sbarrier.arrive $0xFFFF  }
0x109: {  	p0 =	sne.s32 s0, $0x0;
	s0 =	rddreg [dreg:$0x4]  }
0x10a: {  	s0 =	sadd.s32 @!p0 $0x100000, s0  }
0x10b: {  	[sflag:s0] =	ssyncadd.tile.s32 @!p0 $0x1;
	_ =	shalt  }
.Lfunc_end2:
_tile_overlayer_lowered:
.L_overlay_start_2:
0x10c: {  	(tag) =	ssettag $0x2  }
0x10d: {  	s0 =	rddreg [dreg:$0x0];
	s2 =	stileid.u32  }
0x10e: {  	s1 =	rddreg [dreg:$0x1];
	p0 =	sne.s32 s2, $0x0  }
0x10f: {  	s3 =	rddreg [dreg:$0x2];
	[bflag:$0x3] =	sbarrier.arrive $0xFFFF;
	s2 =	simm.s32 @!p0 $0x1C02  }
0x110: {  	[timem:s3], [sflag:s2] =	dma.local @!p0 [hbm:s0], s1  }
0x111: {  	s0 =	simm.s32 @!p0 $0x2  }
0x112: {  	_ =	swait.ge @!p0 [sflag:s0], s1  }
0x113: {  	s1 =	ssub.s32 @!p0 $0x0, s1;
	[sflag:s0] =	ssyncset.done @!p0 $0x0  }
0x114: {  	[sflag:s0] =	ssyncadd.s32 @!p0 s1  }
0x115: {  	[bflag:$0x3] =	sbarrier.arrive $0xFFFF  }
0x116: {  	_ =	shalt  }

</sc_bundles>
